<compile_context>
chip_gen: v7x
topology: tpu7x:2x2x1
jax: 0.10.2.dev20260603
libtpu: 0.0.44.dev20260713+nightly
codegen_flags: <defaults>
</compile_context>

<pallas_src>
import functools

import jax
import jax.numpy as jnp
from jax import lax
from jax.experimental import pallas as pl
from jax.experimental.pallas import tpu as pltpu
from jax.experimental.pallas import tpu_sc as plsc

N = 10000
E = 320000
D = 128
R = 8

NC = 2
NS = 16
NW = NC * NS

CH = 128
EPT = -(-E // (NW * CH)) * CH
EPAD = EPT * NW
NCHUNK = EPT // CH

NPAD = 10240
RPT = NPAD // NS
DUMP = N

BN_MM = 2000
BN_CB = 1024


def _mm_body(x_ref, w_ref, o_ref):
    o_ref[0] = jnp.dot(x_ref[...], w_ref[0], preferred_element_type=jnp.float32)


def _relation_matmul(x, weight):
    grid = (N // BN_MM, R)
    return pl.pallas_call(
        _mm_body,
        grid=grid,
        in_specs=[
            pl.BlockSpec((BN_MM, D), lambda i, r: (i, 0)),
            pl.BlockSpec((1, D, D), lambda i, r: (r, 0, 0)),
        ],
        out_specs=pl.BlockSpec((1, BN_MM, D), lambda i, r: (r, i, 0)),
        out_shape=jax.ShapeDtypeStruct((R, N, D), jnp.float32),
    )(x, weight)


def _cb_body(p0_ref, p1_ref, b_ref, o_ref):
    o_ref[...] = p0_ref[...] + p1_ref[...] + b_ref[...]


def _combine(partials, h_bias):
    nb = NPAD // BN_CB
    return pl.pallas_call(
        _cb_body,
        grid=(nb,),
        in_specs=[
            pl.BlockSpec((BN_CB, D), lambda i: (i, 0)),
            pl.BlockSpec((BN_CB, D), lambda i: (nb + i, 0)),
            pl.BlockSpec((1, D), lambda i: (0, 0)),
        ],
        out_specs=pl.BlockSpec((BN_CB, D), lambda i: (i, 0)),
        out_shape=jax.ShapeDtypeStruct((NPAD, D), jnp.float32),
    )(partials, partials, h_bias.reshape(1, D))


def _sc_body(xw, srcp, dstp, relp, zeros, out, src_v, dst_v, g_v, rows_v,
             acc, sem):
    c = lax.axis_index("c")
    s = lax.axis_index("s")

    pltpu.sync_copy(zeros.at[pl.ds(s * RPT, RPT)], acc.at[pl.ds(s * RPT, RPT)])
    plsc.subcore_barrier()

    wid = s * NC + c
    base = wid * EPT

    def chunk(j, carry):
        off = base + j * CH
        pltpu.sync_copy(srcp.at[pl.ds(off, CH)], src_v)
        pltpu.sync_copy(relp.at[pl.ds(off, CH)], g_v)
        pltpu.sync_copy(dstp.at[pl.ds(off, CH)], dst_v)
        for i in range(CH // 16):
            sl = pl.ds(i * 16, 16)
            g_v[sl] = g_v[sl] * N + src_v[sl]
        pltpu.async_copy(xw.at[g_v], rows_v, sem).wait()
        pltpu.sync_copy(rows_v, acc.at[dst_v], add=True)
        return carry

    lax.fori_loop(0, NCHUNK, chunk, 0)
    plsc.subcore_barrier()

    pltpu.sync_copy(acc.at[pl.ds(s * RPT, RPT)],
                    out.at[pl.ds(c * NPAD + s * RPT, RPT)])


@functools.cache
def _sc_scatter():
    return pl.kernel(
        _sc_body,
        out_type=jax.ShapeDtypeStruct((NC * NPAD, D), jnp.float32),
        mesh=plsc.VectorSubcoreMesh(
            core_axis_name="c", subcore_axis_name="s", num_cores=NC,
            num_subcores=NS),
        scratch_types=(
            [
                pltpu.VMEM((CH,), jnp.int32),
                pltpu.VMEM((CH,), jnp.int32),
                pltpu.VMEM((CH,), jnp.int32),
            ]
            + [pltpu.VMEM((CH, D), jnp.float32)]
            + [pltpu.VMEM_SHARED((NPAD, D), jnp.float32)]
            + [pltpu.SemaphoreType.DMA]
        ),
    )


@jax.jit
def kernel(x, edge_index, rel_type, weight, h_bias):
    src = edge_index[0].astype(jnp.int32)
    dst = edge_index[1].astype(jnp.int32)
    rel = rel_type.astype(jnp.int32)

    pad = EPAD - E
    srcp = jnp.pad(src, (0, pad))
    dstp = jnp.pad(dst, (0, pad), constant_values=DUMP)
    relp = jnp.pad(rel, (0, pad))

    xw = _relation_matmul(x, weight).reshape(R * N, D)
    zeros = jnp.zeros((NPAD, D), jnp.float32)
    partials = _sc_scatter()(xw, srcp, dstp, relp, zeros)
    out = _combine(partials, h_bias)
    return out[:N]

# --- scband reference (transcript-rebuilt; emitter-appended) ---
"""Pipeline reference for scband-rgcnlayer-8693013807306 (READ-ONLY COPY).

The authoritative reference and input builder live on the scoring server;
editing this copy changes nothing except your own understanding.
"""

import jax, jax.numpy as jnp
import numpy as np

N_NODES = 10000
N_EDGES = 320000
D_IN = 128
D_OUT = 128
NUM_RELS = 8


def setup_inputs(seed: int = 0) -> dict:
    key = jax.random.key(seed)
    k1, k2, k3, k4, k5 = jax.random.split(key, 5)
    x = jax.random.normal(k1, (N_NODES, D_IN), dtype=jnp.float32)
    edge_index = jax.random.randint(k2, (2, N_EDGES), 0, N_NODES, dtype=jnp.int64)
    rel_type = jax.random.randint(k3, (N_EDGES,), 0, NUM_RELS, dtype=jnp.int64)
    # Xavier-uniform-like init for relation weights [num_rels, in_feat, out_feat]
    gain = float(np.sqrt(2.0))  # calculate_gain('relu')
    bound = gain * float(np.sqrt(6.0 / (D_IN + D_OUT)))
    weight = jax.random.uniform(k4, (NUM_RELS, D_IN, D_OUT), dtype=jnp.float32, minval=-bound, maxval=bound)
    h_bias = jnp.zeros((D_OUT,), dtype=jnp.float32)
    return {"x": x, "edge_index": edge_index, "rel_type": rel_type, "weight": weight, "h_bias": h_bias}


def reference(x, edge_index, rel_type, weight, h_bias):
    # RGCN basis message function (no basis decomposition: one weight per relation)
    src = edge_index[0]
    dst = edge_index[1]
    h_src = jnp.take(x, src, axis=0)               # [E, D_IN] gather
    w_e = jnp.take(weight, rel_type, axis=0)       # [E, D_IN, D_OUT] per-edge relation weight gather
    msg = jnp.einsum('ed,edo->eo', h_src, w_e)     # bmm_maybe_select
    # fn.sum(msg='msg', out='h'): scatter-add messages to destination nodes
    node_repr = jax.ops.segment_sum(msg, dst, num_segments=N_NODES)  # [N, D_OUT]
    node_repr = node_repr + h_bias                 # bias
    # activation=None, self_loop=False, dropout in eval mode -> identity
    return node_repr

if __name__ == "__main__":
    import jax
    _d = setup_inputs()
    print(jax.jit(kernel)(*tuple(_d.values())))

</pallas_src>

<mosaic_0001>
#map = affine_map<(d0, d1) -> (0, 0)>
#map1 = affine_map<(d0, d1) -> (0)>
module attributes {stable_mosaic.version = 14 : i64} {
  func.func @_sc_body(%arg0: i32, %arg1: i32, %arg2: memref<80000x128xf32, #tpu.memory_space<hbm>>, %arg3: memref<323584xi32, #tpu.memory_space<hbm>>, %arg4: memref<323584xi32, #tpu.memory_space<hbm>>, %arg5: memref<323584xi32, #tpu.memory_space<hbm>>, %arg6: memref<10240x128xf32, #tpu.memory_space<hbm>>, %arg7: memref<20480x128xf32, #tpu.memory_space<hbm>>, %arg8: memref<128xi32, #tpu.memory_space<vmem>>, %arg9: memref<128xi32, #tpu.memory_space<vmem>>, %arg10: memref<128xi32, #tpu.memory_space<vmem>>, %arg11: memref<128x128xf32, #tpu.memory_space<vmem>>, %arg12: memref<10240x128xf32, #tpu.memory_space<vmem_shared>>, %arg13: memref<!tpu.dma_semaphore, #tpu.memory_space<semaphore_mem>>) attributes {dimension_semantics = [#tpu.dimension_semantics<core_parallel>, #tpu.dimension_semantics<subcore_parallel>], iteration_bounds = array<i64: 2, 16>, scalar_prefetch = 0 : i64, scratch_operands = 6 : i64, tpu.core_type = #tpu.core_type<sc_vector_subcore>, window_params = [{transform_indices = #map}, {transform_indices = #map1}, {transform_indices = #map1}, {transform_indices = #map1}, {transform_indices = #map}, {transform_indices = #map}]} {
    %mul3A = arith.constant 640 : i32
    %mul3A_0 = arith.muli %arg1, %mul3A : i32
    %mul3A_1 = arith.constant 640 : i32
    %mul3A_2 = arith.muli %arg1, %mul3A_1 : i32
    "tpu.region"() ({
      %run_scoped3A = tpu.sem_alloc : memref<!tpu.dma_semaphore, #tpu.memory_space<semaphore_mem>>
      %dma_start3A = arith.constant 0 : i32
      %dma_start3A_20 = tpu.memref_slice %arg12[%mul3A_2, %dma_start3A] : memref<10240x128xf32, #tpu.memory_space<vmem_shared>> -> memref<640x128xf32, #tpu.memory_space<vmem_shared>>
      %dma_start3A_21 = arith.constant 0 : i32
      %dma_start3A_22 = tpu.memref_slice %arg6[%mul3A_0, %dma_start3A_21] : memref<10240x128xf32, #tpu.memory_space<hbm>> -> memref<640x128xf32, #tpu.memory_space<hbm>>
      tpu.enqueue_dma source(%dma_start3A_22 : memref<640x128xf32, #tpu.memory_space<hbm>>) target(%dma_start3A_20 : memref<640x128xf32, #tpu.memory_space<vmem_shared>>) target_semaphore(%run_scoped3A : memref<!tpu.dma_semaphore, #tpu.memory_space<semaphore_mem>>)
      %dma_wait3A = arith.constant 0 : i32
      %dma_wait3A_23 = tpu.memref_slice %arg12[%mul3A_2, %dma_wait3A] : memref<10240x128xf32, #tpu.memory_space<vmem_shared>> -> memref<640x128xf32, #tpu.memory_space<vmem_shared>>
      %dma_wait3A_24 = arith.constant 0 : i32
      %dma_wait3A_25 = tpu.memref_slice %arg6[%mul3A_0, %dma_wait3A_24] : memref<10240x128xf32, #tpu.memory_space<hbm>> -> memref<640x128xf32, #tpu.memory_space<hbm>>
      tpu.wait_dma2 semaphore(%run_scoped3A : memref<!tpu.dma_semaphore, #tpu.memory_space<semaphore_mem>>) src(%dma_wait3A_25 : memref<640x128xf32, #tpu.memory_space<hbm>>) dst(%dma_wait3A_23 : memref<640x128xf32, #tpu.memory_space<vmem_shared>>)
      tpu.yield
    }) : () -> ()
    %barrier3A = arith.constant 0 : index
    tpu.barrier barrier_id(%barrier3A)
    %mul3A_3 = arith.constant 2 : i32
    %mul3A_4 = arith.muli %arg1, %mul3A_3 : i32
    %add3A = arith.addi %mul3A_4, %arg0 : i32
    %mul3A_5 = arith.constant 10112 : i32
    %mul3A_6 = arith.muli %add3A, %mul3A_5 : i32
    %scan3A = arith.constant 0 : i32
    %scan3A_7 = arith.constant 0 : i32
    %scan3A_8 = arith.constant 79 : i32
    %scan3A_9 = arith.addi %scan3A_7, %scan3A_8 : i32
    %scan3A_10 = arith.constant 1 : i32
    scf.for %scan3A_20 = %scan3A_7 to %scan3A_9 step %scan3A_10  : i32 {
      %mul3A_21 = arith.constant 128 : i32
      %mul3A_22 = arith.muli %scan3A_20, %mul3A_21 : i32
      %add3A_23 = arith.addi %mul3A_6, %mul3A_22 : i32
      "tpu.region"() ({
        %run_scoped3A = tpu.sem_alloc : memref<!tpu.dma_semaphore, #tpu.memory_space<semaphore_mem>>
        %dma_start3A_138 = tpu.memref_slice %arg3[%add3A_23] : memref<323584xi32, #tpu.memory_space<hbm>> -> memref<128xi32, #tpu.memory_space<hbm>>
        %dma_start3A_139 = tpu.memref_slice %arg3[%add3A_23] : memref<323584xi32, #tpu.memory_space<hbm>> -> memref<128xi32, #tpu.memory_space<hbm>>
        tpu.enqueue_dma source(%dma_start3A_139 : memref<128xi32, #tpu.memory_space<hbm>>) target(%arg8 : memref<128xi32, #tpu.memory_space<vmem>>) target_semaphore(%run_scoped3A : memref<!tpu.dma_semaphore, #tpu.memory_space<semaphore_mem>>)
        %dma_wait3A_140 = tpu.memref_slice %arg3[%add3A_23] : memref<323584xi32, #tpu.memory_space<hbm>> -> memref<128xi32, #tpu.memory_space<hbm>>
        %dma_wait3A_141 = tpu.memref_slice %arg3[%add3A_23] : memref<323584xi32, #tpu.memory_space<hbm>> -> memref<128xi32, #tpu.memory_space<hbm>>
        tpu.wait_dma2 semaphore(%run_scoped3A : memref<!tpu.dma_semaphore, #tpu.memory_space<semaphore_mem>>) src(%dma_wait3A_141 : memref<128xi32, #tpu.memory_space<hbm>>) dst(%arg8 : memref<128xi32, #tpu.memory_space<vmem>>)
        tpu.yield
      }) : () -> ()
      "tpu.region"() ({
        %run_scoped3A = tpu.sem_alloc : memref<!tpu.dma_semaphore, #tpu.memory_space<semaphore_mem>>
        %dma_start3A_138 = tpu.memref_slice %arg5[%add3A_23] : memref<323584xi32, #tpu.memory_space<hbm>> -> memref<128xi32, #tpu.memory_space<hbm>>
        %dma_start3A_139 = tpu.memref_slice %arg5[%add3A_23] : memref<323584xi32, #tpu.memory_space<hbm>> -> memref<128xi32, #tpu.memory_space<hbm>>
        tpu.enqueue_dma source(%dma_start3A_139 : memref<128xi32, #tpu.memory_space<hbm>>) target(%arg10 : memref<128xi32, #tpu.memory_space<vmem>>) target_semaphore(%run_scoped3A : memref<!tpu.dma_semaphore, #tpu.memory_space<semaphore_mem>>)
        %dma_wait3A_140 = tpu.memref_slice %arg5[%add3A_23] : memref<323584xi32, #tpu.memory_space<hbm>> -> memref<128xi32, #tpu.memory_space<hbm>>
        %dma_wait3A_141 = tpu.memref_slice %arg5[%add3A_23] : memref<323584xi32, #tpu.memory_space<hbm>> -> memref<128xi32, #tpu.memory_space<hbm>>
        tpu.wait_dma2 semaphore(%run_scoped3A : memref<!tpu.dma_semaphore, #tpu.memory_space<semaphore_mem>>) src(%dma_wait3A_141 : memref<128xi32, #tpu.memory_space<hbm>>) dst(%arg10 : memref<128xi32, #tpu.memory_space<vmem>>)
        tpu.yield
      }) : () -> ()
      "tpu.region"() ({
        %run_scoped3A = tpu.sem_alloc : memref<!tpu.dma_semaphore, #tpu.memory_space<semaphore_mem>>
        %dma_start3A_138 = tpu.memref_slice %arg4[%add3A_23] : memref<323584xi32, #tpu.memory_space<hbm>> -> memref<128xi32, #tpu.memory_space<hbm>>
        %dma_start3A_139 = tpu.memref_slice %arg4[%add3A_23] : memref<323584xi32, #tpu.memory_space<hbm>> -> memref<128xi32, #tpu.memory_space<hbm>>
        tpu.enqueue_dma source(%dma_start3A_139 : memref<128xi32, #tpu.memory_space<hbm>>) target(%arg9 : memref<128xi32, #tpu.memory_space<vmem>>) target_semaphore(%run_scoped3A : memref<!tpu.dma_semaphore, #tpu.memory_space<semaphore_mem>>)
        %dma_wait3A_140 = tpu.memref_slice %arg4[%add3A_23] : memref<323584xi32, #tpu.memory_space<hbm>> -> memref<128xi32, #tpu.memory_space<hbm>>
        %dma_wait3A_141 = tpu.memref_slice %arg4[%add3A_23] : memref<323584xi32, #tpu.memory_space<hbm>> -> memref<128xi32, #tpu.memory_space<hbm>>
        tpu.wait_dma2 semaphore(%run_scoped3A : memref<!tpu.dma_semaphore, #tpu.memory_space<semaphore_mem>>) src(%dma_wait3A_141 : memref<128xi32, #tpu.memory_space<hbm>>) dst(%arg9 : memref<128xi32, #tpu.memory_space<vmem>>)
        tpu.yield
      }) : () -> ()
      %get3A = arith.constant 0 : index
      %get3A_24 = tpu.vector_load %arg10[%get3A] {strides = array<i32>} : memref<128xi32, #tpu.memory_space<vmem>>, vector<16xi32>,
      %get3A_25 = vector.shape_cast %get3A_24 : vector<16xi32> to vector<16xi32>
      %mul3A_26 = arith.constant 10000 : i32
      %mul3A_27 = vector.broadcast %mul3A_26 : i32 to vector<16xi32>
      %mul3A_28 = arith.muli %get3A_25, %mul3A_27 : vector<16xi32>
      %get3A_29 = arith.constant 0 : index
      %get3A_30 = tpu.vector_load %arg8[%get3A_29] {strides = array<i32>} : memref<128xi32, #tpu.memory_space<vmem>>, vector<16xi32>,
      %get3A_31 = vector.shape_cast %get3A_30 : vector<16xi32> to vector<16xi32>
      %add3A_32 = arith.addi %mul3A_28, %get3A_31 : vector<16xi32>
      %swap3A = arith.constant 0 : index
      %swap3A_33 = tpu.vector_load %arg10[%swap3A] {strides = array<i32>} : memref<128xi32, #tpu.memory_space<vmem>>, vector<16xi32>,
      %swap3A_34 = vector.shape_cast %swap3A_33 : vector<16xi32> to vector<16xi32>
      %swap3A_35 = vector.shape_cast %add3A_32 : vector<16xi32> to vector<16xi32>
      tpu.vector_store %arg10[%swap3A], %swap3A_35 {strides = array<i32>} : memref<128xi32, #tpu.memory_space<vmem>>, vector<16xi32>,
      %get3A_36 = arith.constant 16 : index
      %get3A_37 = tpu.vector_load %arg10[%get3A_36] {strides = array<i32>} : memref<128xi32, #tpu.memory_space<vmem>>, vector<16xi32>,
      %get3A_38 = vector.shape_cast %get3A_37 : vector<16xi32> to vector<16xi32>
      %mul3A_39 = arith.constant 10000 : i32
      %mul3A_40 = vector.broadcast %mul3A_39 : i32 to vector<16xi32>
      %mul3A_41 = arith.muli %get3A_38, %mul3A_40 : vector<16xi32>
      %get3A_42 = arith.constant 16 : index
      %get3A_43 = tpu.vector_load %arg8[%get3A_42] {strides = array<i32>} : memref<128xi32, #tpu.memory_space<vmem>>, vector<16xi32>,
      %get3A_44 = vector.shape_cast %get3A_43 : vector<16xi32> to vector<16xi32>
      %add3A_45 = arith.addi %mul3A_41, %get3A_44 : vector<16xi32>
      %swap3A_46 = arith.constant 16 : index
      %swap3A_47 = tpu.vector_load %arg10[%swap3A_46] {strides = array<i32>} : memref<128xi32, #tpu.memory_space<vmem>>, vector<16xi32>,
      %swap3A_48 = vector.shape_cast %swap3A_47 : vector<16xi32> to vector<16xi32>
      %swap3A_49 = vector.shape_cast %add3A_45 : vector<16xi32> to vector<16xi32>
      tpu.vector_store %arg10[%swap3A_46], %swap3A_49 {strides = array<i32>} : memref<128xi32, #tpu.memory_space<vmem>>, vector<16xi32>,
      %get3A_50 = arith.constant 32 : index
      %get3A_51 = tpu.vector_load %arg10[%get3A_50] {strides = array<i32>} : memref<128xi32, #tpu.memory_space<vmem>>, vector<16xi32>,
      %get3A_52 = vector.shape_cast %get3A_51 : vector<16xi32> to vector<16xi32>
      %mul3A_53 = arith.constant 10000 : i32
      %mul3A_54 = vector.broadcast %mul3A_53 : i32 to vector<16xi32>
      %mul3A_55 = arith.muli %get3A_52, %mul3A_54 : vector<16xi32>
      %get3A_56 = arith.constant 32 : index
      %get3A_57 = tpu.vector_load %arg8[%get3A_56] {strides = array<i32>} : memref<128xi32, #tpu.memory_space<vmem>>, vector<16xi32>,
      %get3A_58 = vector.shape_cast %get3A_57 : vector<16xi32> to vector<16xi32>
      %add3A_59 = arith.addi %mul3A_55, %get3A_58 : vector<16xi32>
      %swap3A_60 = arith.constant 32 : index
      %swap3A_61 = tpu.vector_load %arg10[%swap3A_60] {strides = array<i32>} : memref<128xi32, #tpu.memory_space<vmem>>, vector<16xi32>,
      %swap3A_62 = vector.shape_cast %swap3A_61 : vector<16xi32> to vector<16xi32>
      %swap3A_63 = vector.shape_cast %add3A_59 : vector<16xi32> to vector<16xi32>
      tpu.vector_store %arg10[%swap3A_60], %swap3A_63 {strides = array<i32>} : memref<128xi32, #tpu.memory_space<vmem>>, vector<16xi32>,
      %get3A_64 = arith.constant 48 : index
      %get3A_65 = tpu.vector_load %arg10[%get3A_64] {strides = array<i32>} : memref<128xi32, #tpu.memory_space<vmem>>, vector<16xi32>,
      %get3A_66 = vector.shape_cast %get3A_65 : vector<16xi32> to vector<16xi32>
      %mul3A_67 = arith.constant 10000 : i32
      %mul3A_68 = vector.broadcast %mul3A_67 : i32 to vector<16xi32>
      %mul3A_69 = arith.muli %get3A_66, %mul3A_68 : vector<16xi32>
      %get3A_70 = arith.constant 48 : index
      %get3A_71 = tpu.vector_load %arg8[%get3A_70] {strides = array<i32>} : memref<128xi32, #tpu.memory_space<vmem>>, vector<16xi32>,
      %get3A_72 = vector.shape_cast %get3A_71 : vector<16xi32> to vector<16xi32>
      %add3A_73 = arith.addi %mul3A_69, %get3A_72 : vector<16xi32>
      %swap3A_74 = arith.constant 48 : index
      %swap3A_75 = tpu.vector_load %arg10[%swap3A_74] {strides = array<i32>} : memref<128xi32, #tpu.memory_space<vmem>>, vector<16xi32>,
      %swap3A_76 = vector.shape_cast %swap3A_75 : vector<16xi32> to vector<16xi32>
      %swap3A_77 = vector.shape_cast %add3A_73 : vector<16xi32> to vector<16xi32>
      tpu.vector_store %arg10[%swap3A_74], %swap3A_77 {strides = array<i32>} : memref<128xi32, #tpu.memory_space<vmem>>, vector<16xi32>,
      %get3A_78 = arith.constant 64 : index
      %get3A_79 = tpu.vector_load %arg10[%get3A_78] {strides = array<i32>} : memref<128xi32, #tpu.memory_space<vmem>>, vector<16xi32>,
      %get3A_80 = vector.shape_cast %get3A_79 : vector<16xi32> to vector<16xi32>
      %mul3A_81 = arith.constant 10000 : i32
      %mul3A_82 = vector.broadcast %mul3A_81 : i32 to vector<16xi32>
      %mul3A_83 = arith.muli %get3A_80, %mul3A_82 : vector<16xi32>
      %get3A_84 = arith.constant 64 : index
      %get3A_85 = tpu.vector_load %arg8[%get3A_84] {strides = array<i32>} : memref<128xi32, #tpu.memory_space<vmem>>, vector<16xi32>,
      %get3A_86 = vector.shape_cast %get3A_85 : vector<16xi32> to vector<16xi32>
      %add3A_87 = arith.addi %mul3A_83, %get3A_86 : vector<16xi32>
      %swap3A_88 = arith.constant 64 : index
      %swap3A_89 = tpu.vector_load %arg10[%swap3A_88] {strides = array<i32>} : memref<128xi32, #tpu.memory_space<vmem>>, vector<16xi32>,
      %swap3A_90 = vector.shape_cast %swap3A_89 : vector<16xi32> to vector<16xi32>
      %swap3A_91 = vector.shape_cast %add3A_87 : vector<16xi32> to vector<16xi32>
      tpu.vector_store %arg10[%swap3A_88], %swap3A_91 {strides = array<i32>} : memref<128xi32, #tpu.memory_space<vmem>>, vector<16xi32>,
      %get3A_92 = arith.constant 80 : index
      %get3A_93 = tpu.vector_load %arg10[%get3A_92] {strides = array<i32>} : memref<128xi32, #tpu.memory_space<vmem>>, vector<16xi32>,
      %get3A_94 = vector.shape_cast %get3A_93 : vector<16xi32> to vector<16xi32>
      %mul3A_95 = arith.constant 10000 : i32
      %mul3A_96 = vector.broadcast %mul3A_95 : i32 to vector<16xi32>
      %mul3A_97 = arith.muli %get3A_94, %mul3A_96 : vector<16xi32>
      %get3A_98 = arith.constant 80 : index
      %get3A_99 = tpu.vector_load %arg8[%get3A_98] {strides = array<i32>} : memref<128xi32, #tpu.memory_space<vmem>>, vector<16xi32>,
      %get3A_100 = vector.shape_cast %get3A_99 : vector<16xi32> to vector<16xi32>
      %add3A_101 = arith.addi %mul3A_97, %get3A_100 : vector<16xi32>
      %swap3A_102 = arith.constant 80 : index
      %swap3A_103 = tpu.vector_load %arg10[%swap3A_102] {strides = array<i32>} : memref<128xi32, #tpu.memory_space<vmem>>, vector<16xi32>,
      %swap3A_104 = vector.shape_cast %swap3A_103 : vector<16xi32> to vector<16xi32>
      %swap3A_105 = vector.shape_cast %add3A_101 : vector<16xi32> to vector<16xi32>
      tpu.vector_store %arg10[%swap3A_102], %swap3A_105 {strides = array<i32>} : memref<128xi32, #tpu.memory_space<vmem>>, vector<16xi32>,
      %get3A_106 = arith.constant 96 : index
      %get3A_107 = tpu.vector_load %arg10[%get3A_106] {strides = array<i32>} : memref<128xi32, #tpu.memory_space<vmem>>, vector<16xi32>,
      %get3A_108 = vector.shape_cast %get3A_107 : vector<16xi32> to vector<16xi32>
      %mul3A_109 = arith.constant 10000 : i32
      %mul3A_110 = vector.broadcast %mul3A_109 : i32 to vector<16xi32>
      %mul3A_111 = arith.muli %get3A_108, %mul3A_110 : vector<16xi32>
      %get3A_112 = arith.constant 96 : index
      %get3A_113 = tpu.vector_load %arg8[%get3A_112] {strides = array<i32>} : memref<128xi32, #tpu.memory_space<vmem>>, vector<16xi32>,
      %get3A_114 = vector.shape_cast %get3A_113 : vector<16xi32> to vector<16xi32>
      %add3A_115 = arith.addi %mul3A_111, %get3A_114 : vector<16xi32>
      %swap3A_116 = arith.constant 96 : index
      %swap3A_117 = tpu.vector_load %arg10[%swap3A_116] {strides = array<i32>} : memref<128xi32, #tpu.memory_space<vmem>>, vector<16xi32>,
      %swap3A_118 = vector.shape_cast %swap3A_117 : vector<16xi32> to vector<16xi32>
      %swap3A_119 = vector.shape_cast %add3A_115 : vector<16xi32> to vector<16xi32>
      tpu.vector_store %arg10[%swap3A_116], %swap3A_119 {strides = array<i32>} : memref<128xi32, #tpu.memory_space<vmem>>, vector<16xi32>,
      %get3A_120 = arith.constant 112 : index
      %get3A_121 = tpu.vector_load %arg10[%get3A_120] {strides = array<i32>} : memref<128xi32, #tpu.memory_space<vmem>>, vector<16xi32>,
      %get3A_122 = vector.shape_cast %get3A_121 : vector<16xi32> to vector<16xi32>
      %mul3A_123 = arith.constant 10000 : i32
      %mul3A_124 = vector.broadcast %mul3A_123 : i32 to vector<16xi32>
      %mul3A_125 = arith.muli %get3A_122, %mul3A_124 : vector<16xi32>
      %get3A_126 = arith.constant 112 : index
      %get3A_127 = tpu.vector_load %arg8[%get3A_126] {strides = array<i32>} : memref<128xi32, #tpu.memory_space<vmem>>, vector<16xi32>,
      %get3A_128 = vector.shape_cast %get3A_127 : vector<16xi32> to vector<16xi32>
      %add3A_129 = arith.addi %mul3A_125, %get3A_128 : vector<16xi32>
      %swap3A_130 = arith.constant 112 : index
      %swap3A_131 = tpu.vector_load %arg10[%swap3A_130] {strides = array<i32>} : memref<128xi32, #tpu.memory_space<vmem>>, vector<16xi32>,
      %swap3A_132 = vector.shape_cast %swap3A_131 : vector<16xi32> to vector<16xi32>
      %swap3A_133 = vector.shape_cast %add3A_129 : vector<16xi32> to vector<16xi32>
      tpu.vector_store %arg10[%swap3A_130], %swap3A_133 {strides = array<i32>} : memref<128xi32, #tpu.memory_space<vmem>>, vector<16xi32>,
      %dma_start3A = arith.constant 0 : i32
      %dma_start3A_134 = arith.constant 0 : i32
      %dma_start3A_135 = tpu.memref_slice %arg2[%dma_start3A, %dma_start3A_134] : memref<80000x128xf32, #tpu.memory_space<hbm>> -> memref<80000x128xf32, #tpu.memory_space<hbm>>
      tpu.enqueue_indirect_dma source(%dma_start3A_135 : memref<80000x128xf32, #tpu.memory_space<hbm>>) target(%arg11 : memref<128x128xf32, #tpu.memory_space<vmem>>) offsets(%arg10 : memref<128xi32, #tpu.memory_space<vmem>>) semaphore(%arg13 : memref<!tpu.dma_semaphore, #tpu.memory_space<semaphore_mem>>)
      %dma_wait3A = arith.constant 0 : i32
      %dma_wait3A_136 = arith.constant 0 : i32
      %dma_wait3A_137 = tpu.memref_slice %arg2[%dma_wait3A, %dma_wait3A_136] : memref<80000x128xf32, #tpu.memory_space<hbm>> -> memref<80000x128xf32, #tpu.memory_space<hbm>>
      tpu.wait_indirect_dma semaphore(%arg13 : memref<!tpu.dma_semaphore, #tpu.memory_space<semaphore_mem>>) src(%dma_wait3A_137 : memref<80000x128xf32, #tpu.memory_space<hbm>>) dst(%arg11 : memref<128x128xf32, #tpu.memory_space<vmem>>)
      "tpu.region"() ({
        %run_scoped3A = tpu.sem_alloc : memref<!tpu.dma_semaphore, #tpu.memory_space<semaphore_mem>>
        %dma_start3A_138 = arith.constant 0 : i32
        %dma_start3A_139 = arith.constant 0 : i32
        %dma_start3A_140 = tpu.memref_slice %arg12[%dma_start3A_138, %dma_start3A_139] : memref<10240x128xf32, #tpu.memory_space<vmem_shared>> -> memref<10240x128xf32, #tpu.memory_space<vmem_shared>>
        tpu.enqueue_indirect_dma source(%arg11 : memref<128x128xf32, #tpu.memory_space<vmem>>) target(%dma_start3A_140 : memref<10240x128xf32, #tpu.memory_space<vmem_shared>>) offsets(%arg9 : memref<128xi32, #tpu.memory_space<vmem>>) semaphore(%run_scoped3A : memref<!tpu.dma_semaphore, #tpu.memory_space<semaphore_mem>>) {add = true}
        %dma_wait3A_141 = arith.constant 0 : i32
        %dma_wait3A_142 = arith.constant 0 : i32
        %dma_wait3A_143 = tpu.memref_slice %arg12[%dma_wait3A_141, %dma_wait3A_142] : memref<10240x128xf32, #tpu.memory_space<vmem_shared>> -> memref<10240x128xf32, #tpu.memory_space<vmem_shared>>
        tpu.wait_indirect_dma semaphore(%run_scoped3A : memref<!tpu.dma_semaphore, #tpu.memory_space<semaphore_mem>>) src(%arg11 : memref<128x128xf32, #tpu.memory_space<vmem>>) dst(%dma_wait3A_143 : memref<10240x128xf32, #tpu.memory_space<vmem_shared>>)
        tpu.yield
      }) : () -> ()
    }
    %scan3A_11 = arith.constant 79 : i32
    %barrier3A_12 = arith.constant 0 : index
    tpu.barrier barrier_id(%barrier3A_12)
    %mul3A_13 = arith.constant 640 : i32
    %mul3A_14 = arith.muli %arg1, %mul3A_13 : i32
    %mul3A_15 = arith.constant 10240 : i32
    %mul3A_16 = arith.muli %arg0, %mul3A_15 : i32
    %mul3A_17 = arith.constant 640 : i32
    %mul3A_18 = arith.muli %arg1, %mul3A_17 : i32
    %add3A_19 = arith.addi %mul3A_16, %mul3A_18 : i32
    "tpu.region"() ({
      %run_scoped3A = tpu.sem_alloc : memref<!tpu.dma_semaphore, #tpu.memory_space<semaphore_mem>>
      %dma_start3A = arith.constant 0 : i32
      %dma_start3A_20 = tpu.memref_slice %arg7[%add3A_19, %dma_start3A] : memref<20480x128xf32, #tpu.memory_space<hbm>> -> memref<640x128xf32, #tpu.memory_space<hbm>>
      %dma_start3A_21 = arith.constant 0 : i32
      %dma_start3A_22 = tpu.memref_slice %arg12[%mul3A_14, %dma_start3A_21] : memref<10240x128xf32, #tpu.memory_space<vmem_shared>> -> memref<640x128xf32, #tpu.memory_space<vmem_shared>>
      tpu.enqueue_dma source(%dma_start3A_22 : memref<640x128xf32, #tpu.memory_space<vmem_shared>>) target(%dma_start3A_20 : memref<640x128xf32, #tpu.memory_space<hbm>>) target_semaphore(%run_scoped3A : memref<!tpu.dma_semaphore, #tpu.memory_space<semaphore_mem>>)
      %dma_wait3A = arith.constant 0 : i32
      %dma_wait3A_23 = tpu.memref_slice %arg7[%add3A_19, %dma_wait3A] : memref<20480x128xf32, #tpu.memory_space<hbm>> -> memref<640x128xf32, #tpu.memory_space<hbm>>
      %dma_wait3A_24 = arith.constant 0 : i32
      %dma_wait3A_25 = tpu.memref_slice %arg12[%mul3A_14, %dma_wait3A_24] : memref<10240x128xf32, #tpu.memory_space<vmem_shared>> -> memref<640x128xf32, #tpu.memory_space<vmem_shared>>
      tpu.wait_dma2 semaphore(%run_scoped3A : memref<!tpu.dma_semaphore, #tpu.memory_space<semaphore_mem>>) src(%dma_wait3A_25 : memref<640x128xf32, #tpu.memory_space<vmem_shared>>) dst(%dma_wait3A_23 : memref<640x128xf32, #tpu.memory_space<hbm>>)
      tpu.yield
    }) : () -> ()
    return
  }
}

module attributes {stable_mosaic.version = 14 : i64} {
  func.func @_mm_body(%arg0: i32, %arg1: i32, %arg2: memref<2000x128xf32, #tpu.memory_space<vmem>>, %arg3: memref<1x128x128xf32, #tpu.memory_space<vmem>>, %arg4: memref<1x2000x128xf32, #tpu.memory_space<vmem>>) attributes {dimension_semantics = [#tpu.dimension_semantics<arbitrary>, #tpu.dimension_semantics<arbitrary>], iteration_bounds = array<i64: 5, 8>, scalar_prefetch = 0 : i64, scratch_operands = 0 : i64, tpu.core_type = #tpu.core_type<tc>, window_params = [{transform_indices = @transform_0, window_bounds = array<i64: 2000, 128>}, {transform_indices = @transform_1, window_bounds = array<i64: 1, 128, 128>}, {transform_indices = @transform_2, window_bounds = array<i64: 1, 2000, 128>}]} {
    %get3A = arith.constant 0 : index
    %get3A_0 = arith.constant 0 : index
    %get3A_1 = vector.load %arg2[%get3A, %get3A_0] : memref<2000x128xf32, #tpu.memory_space<vmem>>, vector<2000x128xf32>
    %get3A_2 = arith.constant 0 : index
    %get3A_3 = arith.constant 0 : index
    %get3A_4 = arith.constant 0 : index
    %get3A_5 = vector.load %arg3[%get3A_2, %get3A_3, %get3A_4] : memref<1x128x128xf32, #tpu.memory_space<vmem>>, vector<1x128x128xf32>
    %get3A_6 = vector.shape_cast %get3A_5 : vector<1x128x128xf32> to vector<128x128xf32>
    %dot_general3A = arith.constant dense<0.000000e+00> : vector<2000x128xf32>
    %dot_general3A_7 = tpu.matmul %get3A_1, %get3A_6, %dot_general3A {dimension_numbers = #tpu.dot_dimension_numbers<[1], [0], [0], [1], [0, 0, 1, 1], [], []>, transpose_lhs_hint = false} : vector<2000x128xf32>, vector<128x128xf32>, vector<2000x128xf32> -> vector<2000x128xf32>
    %swap3A = arith.constant 0 : index
    %swap3A_8 = arith.constant 0 : index
    %swap3A_9 = arith.constant 0 : index
    %swap3A_10 = vector.load %arg4[%swap3A, %swap3A_8, %swap3A_9] : memref<1x2000x128xf32, #tpu.memory_space<vmem>>, vector<1x2000x128xf32>
    %swap3A_11 = vector.shape_cast %swap3A_10 : vector<1x2000x128xf32> to vector<2000x128xf32>
    %swap3A_12 = vector.shape_cast %dot_general3A_7 : vector<2000x128xf32> to vector<1x2000x128xf32>
    tpu.vector_store %arg4[%swap3A, %swap3A_8, %swap3A_9], %swap3A_12 {strides = array<i32>} : memref<1x2000x128xf32, #tpu.memory_space<vmem>>, vector<1x2000x128xf32>,
    return
  }
  func.func @transform_0(%arg0: i32, %arg1: i32) -> (i32, i32) {
    %c0_i32 = arith.constant 0 : i32
    %c0_i32_0 = arith.constant 0 : i32
    return %arg0, %c0_i32 : i32, i32
  }
  func.func @transform_1(%arg0: i32, %arg1: i32) -> (i32, i32, i32) {
    %c0_i32 = arith.constant 0 : i32
    %c0_i32_0 = arith.constant 0 : i32
    %c0_i32_1 = arith.constant 0 : i32
    return %arg1, %c0_i32, %c0_i32_0 : i32, i32, i32
  }
  func.func @transform_2(%arg0: i32, %arg1: i32) -> (i32, i32, i32) {
    %c0_i32 = arith.constant 0 : i32
    %c0_i32_0 = arith.constant 0 : i32
    return %arg1, %arg0, %c0_i32 : i32, i32, i32
  }
}

module attributes {stable_mosaic.version = 14 : i64} {
  func.func @_cb_body(%arg0: i32, %arg1: memref<1024x128xf32, #tpu.memory_space<vmem>>, %arg2: memref<1024x128xf32, #tpu.memory_space<vmem>>, %arg3: memref<1x128xf32, #tpu.memory_space<vmem>>, %arg4: memref<1024x128xf32, #tpu.memory_space<vmem>>) attributes {dimension_semantics = [#tpu.dimension_semantics<arbitrary>], iteration_bounds = array<i64: 10>, scalar_prefetch = 0 : i64, scratch_operands = 0 : i64, tpu.core_type = #tpu.core_type<tc>, window_params = [{transform_indices = @transform_0, window_bounds = array<i64: 1024, 128>}, {transform_indices = @transform_1, window_bounds = array<i64: 1024, 128>}, {pipeline_mode = #tpu.pipeline_mode<synchronous>, transform_indices = @transform_2, window_bounds = array<i64: 1, 128>}, {transform_indices = @transform_3, window_bounds = array<i64: 1024, 128>}]} {
    %get3A = arith.constant 0 : index
    %get3A_0 = arith.constant 0 : index
    %get3A_1 = vector.load %arg1[%get3A, %get3A_0] : memref<1024x128xf32, #tpu.memory_space<vmem>>, vector<1024x128xf32>
    %get3A_2 = arith.constant 0 : index
    %get3A_3 = arith.constant 0 : index
    %get3A_4 = vector.load %arg2[%get3A_2, %get3A_3] : memref<1024x128xf32, #tpu.memory_space<vmem>>, vector<1024x128xf32>
    %add3A = arith.addf %get3A_1, %get3A_4 : vector<1024x128xf32>
    %get3A_5 = arith.constant 0 : index
    %get3A_6 = arith.constant 0 : index
    %get3A_7 = vector.load %arg3[%get3A_5, %get3A_6] : memref<1x128xf32, #tpu.memory_space<vmem>>, vector<1x128xf32>
    %add3A_8 = vector.broadcast %get3A_7 : vector<1x128xf32> to vector<1024x128xf32>
    %add3A_9 = arith.addf %add3A, %add3A_8 : vector<1024x128xf32>
    %swap3A = arith.constant 0 : index
    %swap3A_10 = arith.constant 0 : index
    %swap3A_11 = vector.load %arg4[%swap3A, %swap3A_10] : memref<1024x128xf32, #tpu.memory_space<vmem>>, vector<1024x128xf32>
    tpu.vector_store %arg4[%swap3A, %swap3A_10], %add3A_9 {strides = array<i32>} : memref<1024x128xf32, #tpu.memory_space<vmem>>, vector<1024x128xf32>,
    return
  }
  func.func @transform_0(%arg0: i32) -> (i32, i32) {
    %c0_i32 = arith.constant 0 : i32
    %c0_i32_0 = arith.constant 0 : i32
    return %arg0, %c0_i32 : i32, i32
  }
  func.func @transform_1(%arg0: i32) -> (i32, i32) {
    %add3A = arith.constant 10 : i32
    %add3A_0 = arith.addi %add3A, %arg0 : i32
    %c0_i32 = arith.constant 0 : i32
    %c0_i32_1 = arith.constant 0 : i32
    return %add3A_0, %c0_i32 : i32, i32
  }
  func.func @transform_2(%arg0: i32) -> (i32, i32) {
    %c0_i32 = arith.constant 0 : i32
    %c0_i32_0 = arith.constant 0 : i32
    %c0_i32_1 = arith.constant 0 : i32
    return %c0_i32, %c0_i32_0 : i32, i32
  }
  func.func @transform_3(%arg0: i32) -> (i32, i32) {
    %c0_i32 = arith.constant 0 : i32
    %c0_i32_0 = arith.constant 0 : i32
    return %arg0, %c0_i32 : i32, i32
  }
}

</mosaic_0001>

<sc_bundles>
// kernel: kernel.5.cloned.1.call-start
scs
__scs_entry_jumppad:
0x0: {  	(pc) =	sbr.rel $0x88, $3  }
0x1: {  	(tag) =	ssettag $0x0;
	lr =	simm.s32 $0x1  }
0x2: {  	[smem:$0x3F9C] =	sst lr;
	_ =	strace $0xD0000000  }
0x3: {  	_ = 	snop  }
0x4: {  	_ = 	snop  }
0x5: {  	_ = 	snop  }
0x6: {  	_ = 	snop  }
0x7: {  	_ = 	snop  }
__scs_overlays_trampoline_lowered:
0x8: {  	[smem:$0x3FAB] =	sst s0  }
0x9: {  	[smem:$0x3FAC] =	sst s1  }
0xa: {  	[smem:$0x3FAD] =	sst s2  }
0xb: {  	[smem:$0x3FAE] =	sst s3  }
0xc: {  	[smem:$0x3FAF] =	sst s4  }
0xd: {  	[smem:$0x3FB0] =	sst s5  }
0xe: {  	[smem:$0x3FB1] =	sst s6  }
0xf: {  	[smem:$0x3FB2] =	sst s7  }
0x10: {  	[smem:$0x3FB3] =	sst s8  }
0x11: {  	[smem:$0x3FB4] =	sst s9;
	s0 =	simm.s32 @!p0 $0x0  }
0x12: {  	s1 =	sld [smem:$0x3F9A];
	s0 =	simm.s32 @p0 $0x1  }
0x13: {  	[smem:$0x3FB5] =	sst s0;
	s0 =	simm.s32 @!p1 $0x0  }
0x14: {  	s2 =	sld [smem:$0x3F99];
	s0 =	simm.s32 @p1 $0x1  }
0x15: {  	[smem:$0x3FB6] =	sst s0;
	s0 =	simm.s32 @!p2 $0x0  }
0x16: {  	s3 =	sld [smem:$0x3FDB];
	s0 =	simm.s32 @p2 $0x1  }
0x17: {  	s4 =	simm.s32 $0x1BF5;
	[smem:$0x3FB8] =	sst s0  }
0x18: {  	s0 =	sld [smem:$0x3F9B];
	_ =	swait.ge [sflag:s4], $0x0  }
0x19: {  	s7 =	sld [smem:$0x3F9C]  }
0x1a: {  	s8 =	sadd.s32 $0xFFFFE003, lr  }
0x1b: {  	s9 =	sadd.s32 $0xFFFFFEF7, lr;
	s5 =	simm.s32 $0xFFFFFFFF;
	p2 =	slt.u32 s8, $0xFFFFF086  }
0x1c: {  	p1 =	slt.u32 s9, $0xF7A;
	s5 =	simm.s32 @!p2 $0x0  }
0x1d: {  	s5 =	simm.s32 @p1 $0x1;
	p0 =	seq.s32 s7, s2  }
0x1e: {  	s7 =	smul.u32 @!p0 $0xF7A, s2;
	p2 =	seq.s32 @!p0 s5, $0x0  }
0x1f: {  	s9 =	smul.u32 $0xF7A, s1;
	s8 =	simm.s32 @!p0 $0x1BF5;
	p2 =	por !p2, p0  }
0x20: {  	[sflag:s8] =	ssyncset.s32 @!p0 $0xFFFFF086;
	s6 =	sadd.s32 @!p0 s3, s7;
	s7 =	simm.s32 @!p0 $0x108  }
0x21: {  	s3 =	sadd.s32 s3, s9;
	s6 =	sadd.s32 @!p0 $0x88, s6;
	s7 =	simm.s32 @p2 $0x1082  }
0x22: {  	[simem:s7], [sflag:s8] =	dma.local @!p0 [hbm:s6], $0xF7A  }
0x23: {  	s9 =	sor.u32 $0xD0000000, s2;
	s6 =	simm.s32 $0x108;
	_ =	swait.ge @!p0 [sflag:s8], $0x0  }
0x24: {  	s3 =	sadd.s32 $0x88, s3;
	s6 =	simm.s32 @!p1 $0x1082;
	[sflag:s4] =	ssyncset.s32 $0xFFFFF086  }
0x25: {  	[simem:s6], [sflag:s4] =	dma.local [hbm:s3], $0xF7A  }
0x26: {  	[smem:$0x3F9C] =	sst s1;
	(tag) =	ssettag s2;
	_ =	strace s9  }
0x27: {  	s1 =	sld [smem:$0x3FAC]  }
0x28: {  	s2 =	sld [smem:$0x3FAD]  }
0x29: {  	s4 =	sld [smem:$0x3FAF]  }
0x2a: {  	p0 =	seq.s32 s5, $0x0;
	s5 =	sld [smem:$0x3FB0]  }
0x2b: {  	s6 =	sld [smem:$0x3FB1]  }
0x2c: {  	s7 =	sld [smem:$0x3FB2]  }
0x2d: {  	s3 =	simm.s32 $0x108;
	s8 =	sld [smem:$0x3FB3]  }
0x2e: {  	s3 =	simm.s32 @!p0 $0x1082;
	s9 =	sld [smem:$0x3FB4]  }
0x2f: {  	lr =	sadd.s32 s0, s3;
	s0 =	sld [smem:$0x3FAB]  }
0x30: {  	s3 =	sld [smem:$0x3FAE]  }
0x31: {  	[smem:$0x3FB7] =	sst s10  }
0x32: {  	s10 =	sld [smem:$0x3FB5];
	_ =	sdelay $0x3  }
0x33: {  	p0 =	seq.s32 s10, $0x1;
	s10 =	sld [smem:$0x3FB7];
	_ =	sdelay $0x3  }
0x34: {  	[smem:$0x3FB7] =	sst s10  }
0x35: {  	s10 =	sld [smem:$0x3FB6];
	_ =	sdelay $0x3  }
0x36: {  	p1 =	seq.s32 s10, $0x1;
	s10 =	sld [smem:$0x3FB7];
	_ =	sdelay $0x3  }
0x37: {  	[smem:$0x3FB7] =	sst s10  }
0x38: {  	s10 =	sld [smem:$0x3FB8]  }
0x39: {  	_ = 	snop;
	(pc) =	sbr.ind lr, $3  }
0x3a: {  	_ = 	snop  }
0x3b: {  	_ = 	snop  }
0x3c: {  	p2 =	seq.s32 s10, $0x1;
	s10 =	sld [smem:$0x3FB7]  }
0x3d: {  	_ =	shalt  }
0x3e: {  	_ =	shalt  }
0x3f: {  	_ =	shalt  }
0x40: {  	_ =	shalt  }
0x41: {  	_ =	shalt  }
0x42: {  	_ =	shalt  }
0x43: {  	_ =	shalt  }
0x44: {  	_ =	shalt  }
0x45: {  	_ =	shalt  }
0x46: {  	_ =	shalt  }
0x47: {  	_ =	shalt  }
0x48: {  	_ =	shalt  }
0x49: {  	_ =	shalt  }
0x4a: {  	_ =	shalt  }
0x4b: {  	_ =	shalt  }
0x4c: {  	_ =	shalt  }
0x4d: {  	_ =	shalt  }
0x4e: {  	_ =	shalt  }
0x4f: {  	_ =	shalt  }
0x50: {  	_ =	shalt  }
0x51: {  	_ =	shalt  }
0x52: {  	_ =	shalt  }
0x53: {  	_ =	shalt  }
0x54: {  	_ =	shalt  }
0x55: {  	_ =	shalt  }
0x56: {  	_ =	shalt  }
0x57: {  	_ =	shalt  }
0x58: {  	_ =	shalt  }
0x59: {  	_ =	shalt  }
0x5a: {  	_ =	shalt  }
0x5b: {  	_ =	shalt  }
0x5c: {  	_ =	shalt  }
0x5d: {  	_ =	shalt  }
0x5e: {  	_ =	shalt  }
0x5f: {  	_ =	shalt  }
0x60: {  	_ =	shalt  }
0x61: {  	_ =	shalt  }
0x62: {  	_ =	shalt  }
0x63: {  	_ =	shalt  }
0x64: {  	_ =	shalt  }
0x65: {  	_ =	shalt  }
0x66: {  	_ =	shalt  }
0x67: {  	_ =	shalt  }
0x68: {  	_ =	shalt  }
0x69: {  	_ =	shalt  }
0x6a: {  	_ =	shalt  }
0x6b: {  	_ =	shalt  }
0x6c: {  	_ =	shalt  }
0x6d: {  	_ =	shalt  }
0x6e: {  	_ =	shalt  }
0x6f: {  	_ =	shalt  }
0x70: {  	_ =	shalt  }
0x71: {  	_ =	shalt  }
0x72: {  	_ =	shalt  }
0x73: {  	_ =	shalt  }
0x74: {  	_ =	shalt  }
0x75: {  	_ =	shalt  }
0x76: {  	_ =	shalt  }
0x77: {  	_ =	shalt  }
0x78: {  	_ =	shalt  }
0x79: {  	_ =	shalt  }
0x7a: {  	_ =	shalt  }
0x7b: {  	_ =	shalt  }
0x7c: {  	_ =	shalt  }
0x7d: {  	_ =	shalt  }
0x7e: {  	_ =	shalt  }
0x7f: {  	_ =	shalt  }
0x80: {  	_ =	shalt  }
0x81: {  	_ =	shalt  }
0x82: {  	_ =	shalt  }
0x83: {  	_ =	shalt  }
0x84: {  	_ =	shalt  }
0x85: {  	_ =	shalt  }
0x86: {  	_ =	shalt  }
0x87: {  	_ =	shalt  }
.Lfunc_end0:
.L_simem_size_0:
called_computation_lowered:
.L_overlay_start_0:
0x88: {  	s2 =	sld [smem:$0x3FD9]  }
0x89: {  	s3 =	sld [smem:$0x3FFE];
	_ =	sdelay $0x1  }
0x8a: {  	s1 =	srdreg.scid  }
0x8b: {  	s0 =	sand.u32 $0x1, s1  }
0x8c: {  	s17 =	sshll.u32 s0, $0xA;
	s2 =	sadd.s32 s3, s2  }
0x8d: {  	s2 =	sadd.s32 s2, s17  }
0x8e: {  	[smem:$0x3FC3] =	sst s2  }
0x8f: {  	_ = 	snop  }
0x90: {  	s2 =	sld [smem:$0x3FD0];
	(tm) =	ssettm $0x1  }
0x91: {  	s18 =	sld [smem:$0x3FFB];
	_ =	sdelay $0x3  }
0x92: {  	_ =	strace s18  }
0x93: {  	s3 =	sld [smem:$0x3FFC];
	_ =	sdelay $0x3  }
0x94: {  	_ =	strace s3  }
0x95: {  	s3 =	sld [smem:$0x3FFD];
	_ =	sdelay $0x3  }
0x96: {  	_ =	strace s3  }
0x97: {  	_ =	strace $0x8FFFFFFF  }
0x98: {  	s19 =	sld [smem:$0x3FDB];
	_ =	sdelay $0x1  }
0x99: {  	s4 =	simm.s32 $_scs_section_size  }
0x9a: {  	s5 =	simm.s32 $_size__tile_overlayer_lowered;
	s6 =	simm.s32 $_tile_overlayer_lowered  }
0x9b: {  	s22 =	simm.s32 $0x1BFF;
	s21 =	sshll.u32 s6, $0x1;
	s3 =	sadd.s32 s4, s19  }
0x9c: {  	s7 =	simm.s32 $0x0;
	s20 =	sshll.u32 s5, $0x1;
	s5 =	sadd.s32 s21, s3  }
0x9d: {  	[timem:s7], [sflag:s22] =	dma.local [hbm:s5], s20  }
0x9e: {  	_ =	swait.ge [sflag:s22], s20  }
0x9f: {  	s4 =	ssub.s32 $0x0, s20;
	[sflag:s22] =	ssyncset.done $0x0  }
0xa0: {  	[sflag:s22] =	ssyncadd.s32 s4;
	_ =	sdelay $0x1  }
0xa1: {  	s23 =	simm.s32 $0x1B8B  }
0xa2: {  	_ =	swait.ge [sflag:s23], $0x1  }
0xa3: {  	[sflag:s23] =	ssyncset.done $0x0  }
0xa4: {  	s25 =	simm.s32 $0x1B8E;
	s24 =	sld [smem:$0x3FFE];
	[sflag:s23] =	ssyncadd.s32 $0xFFFFFFFF  }
0xa5: {  	s26 =	simm.s32 $execute0_lowered;
	[smem:$0x3FD2] =	sst s25  }
0xa6: {  	s5 =	sshll.u32 s26, $0x1;
	_ =	strace $0x80000046;
	[dreg:$0x1] =	wrdreg $0xFFFFFFFF  }
0xa7: {  	s28 =	simm.s32 $_size_execute0_lowered;
	s3 =	sadd.s32 s3, s5;
	[dreg:$0x0] =	wrdreg $0x0  }
0xa8: {  	s5 =	sshll.u32 s28, $0x1;
	[dreg:$0x2] =	wrdreg s3  }
0xa9: {  	[dreg:$0x3] =	wrdreg s5  }
0xaa: {  	[dreg:$0x4] =	wrdreg $0xC0  }
0xab: {  	_ =	task [dreg:s7], $0x5FFFF  }
0xac: {  	[dreg:$0x1] =	wrdreg $0xFFFFFFFF  }
0xad: {  	[dreg:$0x0] =	wrdreg $0x60  }
0xae: {  	[dreg:$0x2] =	wrdreg s24  }
0xaf: {  	[dreg:$0x3] =	wrdreg s2  }
0xb0: {  	[dreg:$0x4] =	wrdreg $0x41800  }
0xb1: {  	[dreg:$0x5] =	wrdreg $0x9  }
0xb2: {  	_ =	task.clear_ibuf [dreg:s7], $0x6FFFF;
	_ =	strace $0x90000046  }
0xb3: {  	s29 =	simm.s32 $0x9;
	_ =	strace $0x80000048  }
0xb4: {  	_ =	swait.ge [sflag:s29], $0x1  }
0xb5: {  	[sflag:s29] =	ssyncadd.s32 $0xFFFFFFFF  }
0xb6: {  	_ =	strace $0x90000048  }
0xb7: {  	_ =	sfence  }
0xb8: {  	s30 =	sld [smem:$0x0];
	_ =	sdelay $0x2  }
0xb9: {  	s31 =	sshll.u32 s1, $0xD;
	s1 =	sshrl.u32 s1, $0x2  }
0xba: {  	s3 =	sand.u32 $0x4000, s31;
	s1 =	sadd.s32 s1, s30  }
0xbb: {  	s0 =	sor.u32 s3, s0;
	s1 =	sshll.u32 s1, $0x11  }
0xbc: {  	s0 =	sor.u32 s1, s0  }
0xbd: {  	s0 =	sadd.s32 $0x8F2B, s0  }
0xbe: {  	[sflag:s0] =	ssyncadd.remote.s32 $0x1  }
0xbf: {  	_ =	sfence.sel $0xFFFF  }
0xc0: {  	[dreg:$0x0] =	wrdreg $0xFFFFFFFF;
	(pc) =	sbr.abs _section_cstart, $3  }
0xc1: {  	[dreg:$0x1] =	wrdreg $0xFFFFFFFF  }
0xc2: {  	_ =	task.clear_ibuf [dreg:s7], $0x2FFFF;
	_ =	strace $0x9FFFFFFF  }
0xc3: {  	(tm) =	ssettm $0x7FFFFFFF  }
tec
execute0_lowered:
.L_overlay_start_1:
0x0: {  	(tag) =	ssettag $0x1  }
0x1: {  	s5 =	rddreg [dreg:$0x0]  }
0x2: {  	s10 =	rddreg [dreg:$0x1]  }
0x3: {  	s2 =	rddreg [dreg:$0x2]  }
0x4: {  	s0 =	rddreg [dreg:$0x3]  }
0x5: {  	s1 =	stileid.u32;
	s4 =	srdreg.scid  }
0x6: {  	s3 =	simm.s32 $0x0;
	s16 =	simm.s32 $0x180;
	s11 =	smul.u32 $0x9E0, s1  }
0x7: {  	s17 =	simm.s32 $0x1;
	s18 =	simm.s32 $0x0;
	s6 =	smul.u32 $0x2800, s1  }
0x8: {  	s7 =	sand.u32 $0x1, s4;
	[smem:$0x7FF] =	sst s3;
	s13 =	smul.u32 $0x50000, s1  }
0x9: {  	s4 =	sadd.s32 $0x14600, s5;
	s31 =	sshll.u32 s1, $0x6;
	s8 =	smul.u32 $0x28000, s7  }
0xa: {  	_ =	strace $0x80000047;
	s12 =	ssub.s32 $0x2, s7;
	s30 =	smul.u32 $0x4F0, s7  }
0xb: {  	s9 =	sadd.s32 s11, s5;
	s28 =	sshrl.u32 s12, $0x1;
	s29 =	sshrl.u32 s13, $0x2  }
0xc: {  	s11 =	sadd.s32 s11, s10;
	s13 =	simm.s32 $0x2;
	s8 =	sadd.s32 s6, s8  }
0xd: {  	s6 =	sadd.s32 s6, s5;
	s12 =	ssub.s32 s12, s28;
	s14 =	sadd.s32 s29, s2  }
0xe: {  	s15 =	sadd.s32 s30, s9;
	s11 =	sadd.s32 s30, s11;
	s8 =	sadd.s32 s8, s5  }
0xf: {  	s5 =	sadd.s32 $0x14CE00, s6;
	s6 =	sor.u32 $0x1C02, s31;
	s9 =	sadd.s32 $0xA800, s15  }
0x10: {  	s10 =	sadd.s32 $0xA00, s15;
	s15 =	simm.s32 $0x80;
	s7 =	sadd.s32 $0x174E00, s8  }
0x11: {  	s8 =	smax.u32 s12, $0x1;
	s12 =	sshrl.u32 s14, $0x3;
	s14 =	simm.s32 $0x100  }
.LBB2_1:
0x12: {  	[spmem:s12], [sflag:s6] =	dma.local [hbm:s5], $0x2800  }
0x13: {  	_ =	swait.ge [sflag:s13], $0x2800  }
0x14: {  	[sflag:s13] =	ssyncset.done $0x0  }
0x15: {  	[sflag:s13] =	ssyncadd.s32 $0xFFFFD800  }
0x16: {  	s19 =	sadd.s32 $0x0, s11;
	[bflag:$0x0] =	sbarrier.arrive $0xFFFF  }
0x17: {  	[tilespmem:s3], [sflag:$0x2] =	stream.linear.gather [hbm4b:s19+s3], $0x80, $0x38;
	[tilespmem:$0x18180] =	vst v63  }
0x18: {  	_ =	swait.ge [sflag:s13], $0x80  }
0x19: {  	[sflag:s13] =	ssyncset.done $0x0  }
0x1a: {  	s30 =	sadd.s32 $0x0, s10;
	[sflag:s13] =	ssyncadd.s32 $0xFFFFFF80  }
0x1b: {  	[tilespmem:s14], [sflag:$0x2] =	stream.linear.gather [hbm4b:s30+s3], $0x80, $0x38;
	[tilespmem:$0x18180] =	vst v63  }
0x1c: {  	_ =	swait.ge [sflag:s13], $0x80  }
0x1d: {  	[sflag:s13] =	ssyncset.done $0x0  }
0x1e: {  	s31 =	sadd.s32 $0x0, s9;
	[sflag:s13] =	ssyncadd.s32 $0xFFFFFF80  }
0x1f: {  	[tilespmem:s15], [sflag:$0x2] =	stream.linear.gather [hbm4b:s31+s3], $0x80, $0x38;
	[tilespmem:$0x18180] =	vst v63  }
0x20: {  	_ =	swait.ge [sflag:s13], $0x80  }
0x21: {  	[sflag:s13] =	ssyncset.done $0x0  }
0x22: {  	[sflag:s13] =	ssyncadd.s32 $0xFFFFFF80  }
0x23: {  	v1 =	vld [tilespmem:$0x30]  }
0x24: {  	v0 =	vld [tilespmem:$0x40]  }
0x25: {  	s19 =	simm.s32 $0x10;
	v2 =	vld [tilespmem:$0x60]  }
.LBB2_2:
0x26: {  	p0 =	sne.s32 s19, $0x4E0;
	v3 =	vld [tilespmem:$0x70];
	s20 =	smov.u32 s19;
	s19 =	sadd.s32 $0x10, s19  }
0x27: {  	v4 =	vld [tilespmem:$0x10]  }
0x28: {  	v5 =	vld [tilespmem:$0x20]  }
0x29: {  	v6 =	vld [tilespmem:$0x160]  }
0x2a: {  	v7 =	vld [tilespmem:$0x130]  }
0x2b: {  	v8 =	vld [tilespmem:$0x120]  }
0x2c: {  	v9 =	vld [tilespmem:$0x170]  }
0x2d: {  	v10 =	vld [tilespmem:$0x110]  }
0x2e: {  	v11 =	vld [tilespmem:$0x140];
	v6 =	vmul.u32 $0x2710, v6  }
0x2f: {  	v12 =	vld [tilespmem:$0x100];
	v7 =	vmul.u32 $0x2710, v7  }
0x30: {  	v8 =	vmul.u32 $0x2710, v8;
	v13 =	vld [tilespmem:$0x150];
	v2 =	vadd.s32 v2, v6  }
0x31: {  	v6 =	vld [tilespmem:$0x0];
	v1 =	vadd.s32 v1, v7;
	[tilespmem:$0x160] =	vst v2;
	v2 =	vmul.u32 $0x2710, v9  }
0x32: {  	v7 =	vmul.u32 $0x2710, v10;
	v5 =	vadd.s32 v5, v8;
	[tilespmem:$0x130] =	vst v1;
	v1 =	vld [tilespmem:$0x50]  }
0x33: {  	[tilespmem:$0x120] =	vst v5;
	v5 =	vmul.u32 $0x2710, v11;
	v2 =	vadd.s32 v3, v2  }
0x34: {  	v3 =	vmul.u32 $0x2710, v12;
	v4 =	vadd.s32 v4, v7;
	[tilespmem:$0x170] =	vst v2  }
0x35: {  	[tilespmem:$0x110] =	vst v4;
	v0 =	vadd.s32 v0, v5;
	v2 =	vmul.u32 $0x2710, v13  }
0x36: {  	v3 =	vadd.s32 v6, v3;
	[tilespmem:$0x140] =	vst v0  }
0x37: {  	[tilespmem:$0x100] =	vst v3;
	v0 =	vadd.s32 v1, v2  }
0x38: {  	[tilespmem:$0x150] =	vst v0  }
0x39: {  	[tilespmem:s16], [sflag:$0x1] =	stream.indirect.gather [hbm4b:s4+s15], $0x80, s14, s15, $0xb8;
	[tilespmem:$0x18180] =	vst v63  }
0x3a: {  	_ =	swait.ge [sflag:s17], $0x4000  }
0x3b: {  	[sflag:s17] =	ssyncset.done $0x0  }
0x3c: {  	[sflag:s17] =	ssyncadd.s32 $0xFFFFC000  }
0x3d: {  	[spmem:s2] =	stream.indirect.scatter.add.f32 [tilespmem:s16], [sflag:$0x2], $0x80, s15, s15, $0xb8;
	[tilespmem:$0x18180] =	vst v63  }
0x3e: {  	_ =	swait.ge [sflag:s13], $0x4000  }
0x3f: {  	[sflag:s13] =	ssyncset.done $0x0  }
0x40: {  	s21 =	sadd.s32 s20, s11;
	[sflag:s13] =	ssyncadd.s32 $0xFFFFC000  }
0x41: {  	[tilespmem:s3], [sflag:$0x2] =	stream.linear.gather [hbm4b:s21+s3], $0x80, $0x38;
	[tilespmem:$0x18180] =	vst v63  }
0x42: {  	_ =	swait.ge [sflag:s13], $0x80  }
0x43: {  	[sflag:s13] =	ssyncset.done $0x0  }
0x44: {  	s21 =	sadd.s32 s20, s10;
	[sflag:s13] =	ssyncadd.s32 $0xFFFFFF80  }
0x45: {  	[tilespmem:s14], [sflag:$0x2] =	stream.linear.gather [hbm4b:s21+s3], $0x80, $0x38;
	[tilespmem:$0x18180] =	vst v63  }
0x46: {  	_ =	swait.ge [sflag:s13], $0x80  }
0x47: {  	[sflag:s13] =	ssyncset.done $0x0  }
0x48: {  	s20 =	sadd.s32 s20, s9;
	[sflag:s13] =	ssyncadd.s32 $0xFFFFFF80  }
0x49: {  	[tilespmem:s15], [sflag:$0x2] =	stream.linear.gather [hbm4b:s20+s3], $0x80, $0x38;
	[tilespmem:$0x18180] =	vst v63  }
0x4a: {  	_ =	swait.ge [sflag:s13], $0x80  }
.Ltmp0:
0x4b: {  	[sflag:s13] =	ssyncset.done $0x0;
	(pc) =	sbr.rel @p0 .LBB2_2-.Ltmp0, $4  }
0x4c: {  	[sflag:s13] =	ssyncadd.s32 $0xFFFFFF80  }
0x4d: {  	v1 =	vld [tilespmem:$0x30]  }
0x4e: {  	v0 =	vld [tilespmem:$0x40]  }
0x4f: {  	v2 =	vld [tilespmem:$0x60]  }
0x50: {  	v4 =	vld [tilespmem:$0x10]  }
0x51: {  	v5 =	vld [tilespmem:$0x20]  }
0x52: {  	v6 =	vld [tilespmem:$0x160]  }
0x53: {  	v7 =	vld [tilespmem:$0x130]  }
0x54: {  	v8 =	vld [tilespmem:$0x120]  }
0x55: {  	v9 =	vld [tilespmem:$0x170]  }
0x56: {  	v10 =	vld [tilespmem:$0x110]  }
0x57: {  	v11 =	vld [tilespmem:$0x140]  }
0x58: {  	v13 =	vld [tilespmem:$0x150];
	v6 =	vmul.u32 $0x2710, v6  }
0x59: {  	v12 =	vld [tilespmem:$0x100];
	v7 =	vmul.u32 $0x2710, v7  }
0x5a: {  	v59 =	vld [tilespmem:$0x50];
	v8 =	vmul.u32 $0x2710, v8;
	v2 =	vadd.s32 v2, v6  }
0x5b: {  	v3 =	vld [tilespmem:$0x70];
	v58 =	vmul.u32 $0x2710, v10;
	v1 =	vadd.s32 v1, v7;
	[tilespmem:$0x160] =	vst v2  }
0x5c: {  	v56 =	vld [tilespmem:$0x0];
	v60 =	vmul.u32 $0x2710, v11;
	v5 =	vadd.s32 v5, v8;
	[tilespmem:$0x130] =	vst v1  }
0x5d: {  	v62 =	vmul.u32 $0x2710, v13;
	v4 =	vadd.s32 v4, v58;
	[tilespmem:$0x120] =	vst v5  }
0x5e: {  	v57 =	vmul.u32 $0x2710, v9;
	v0 =	vadd.s32 v0, v60;
	[tilespmem:$0x110] =	vst v4  }
0x5f: {  	v61 =	vmul.u32 $0x2710, v12;
	v63 =	vadd.s32 v59, v62;
	[tilespmem:$0x140] =	vst v0  }
0x60: {  	v2 =	vadd.s32 v3, v57;
	[tilespmem:$0x150] =	vst v63  }
0x61: {  	v3 =	vadd.s32 v56, v61;
	[tilespmem:$0x170] =	vst v2  }
0x62: {  	[tilespmem:$0x100] =	vst v3  }
0x63: {  	[tilespmem:s16], [sflag:$0x1] =	stream.indirect.gather [hbm4b:s4+s15], $0x80, s14, s15, $0xb8;
	[tilespmem:$0x18180] =	vst v63  }
0x64: {  	_ =	swait.ge [sflag:s17], $0x4000  }
0x65: {  	[sflag:s17] =	ssyncset.done $0x0  }
0x66: {  	[sflag:s17] =	ssyncadd.s32 $0xFFFFC000  }
0x67: {  	[spmem:s2] =	stream.indirect.scatter.add.f32 [tilespmem:s16], [sflag:$0x2], $0x80, s15, s15, $0xb8;
	[tilespmem:$0x18180] =	vst v63  }
0x68: {  	_ =	swait.ge [sflag:s13], $0x4000  }
0x69: {  	s18 =	sadd.s32 $0x1, s18;
	[sflag:s13] =	ssyncset.done $0x0  }
0x6a: {  	p0 =	sne.s32 s18, s8;
	[sflag:s13] =	ssyncadd.s32 $0xFFFFC000  }
.Ltmp1:
0x6b: {  	[bflag:$0x0] =	sbarrier.arrive $0xFFFF;
	(pc) =	sbr.rel @p0 .LBB2_1-.Ltmp1, $4  }
0x6c: {  	[hbm:s7], [sflag:s6] =	dma.local [spmem:s12], $0x2800  }
0x6d: {  	_ =	swait.ge [sflag:s13], $0x2800  }
0x6e: {  	[sflag:s13] =	ssyncset.done $0x0  }
0x6f: {  	[sflag:s13] =	ssyncadd.s32 $0xFFFFD800  }
0x70: {  	_ =	sfence.sel $0x180000  }
0x71: {  	[bflag:$0x0] =	sbarrier.arrive $0xFFFF  }
0x72: {  	p0 =	sne.s32 s1, $0x0;
	_ =	strace $0x90000047  }
0x73: {  	s0 =	sadd.s32 @!p0 $0x100000, s0;
	[bflag:$0x2] =	sbarrier.arrive $0xFFFF  }
0x74: {  	[sflag:s0] =	ssyncadd.tile.s32 @!p0 $0x1;
	_ =	shalt  }
.Lfunc_end2:
_tile_overlayer_lowered:
.L_overlay_start_2:
0x75: {  	(tag) =	ssettag $0x2  }
0x76: {  	s0 =	rddreg [dreg:$0x0];
	s2 =	stileid.u32  }
0x77: {  	s1 =	rddreg [dreg:$0x1];
	p0 =	sne.s32 s2, $0x0  }
0x78: {  	s3 =	rddreg [dreg:$0x2];
	[bflag:$0x3] =	sbarrier.arrive $0xFFFF;
	s2 =	simm.s32 @!p0 $0x1C02  }
0x79: {  	[timem:s3], [sflag:s2] =	dma.local @!p0 [hbm:s0], s1  }
0x7a: {  	s0 =	simm.s32 @!p0 $0x2  }
0x7b: {  	_ =	swait.ge @!p0 [sflag:s0], s1  }
0x7c: {  	s1 =	ssub.s32 @!p0 $0x0, s1;
	[sflag:s0] =	ssyncset.done @!p0 $0x0  }
0x7d: {  	[sflag:s0] =	ssyncadd.s32 @!p0 s1  }
0x7e: {  	[bflag:$0x3] =	sbarrier.arrive $0xFFFF  }
0x7f: {  	_ =	shalt  }

</sc_bundles>
